<compile_context>
chip_gen: v7x
topology: tpu7x:2x2x1
jax: 0.10.2.dev20260603
libtpu: 0.0.44.dev20260713+nightly
codegen_flags: <defaults>
</compile_context>

<pallas_src>
import functools

import jax
import jax.numpy as jnp
import numpy as np
from jax import lax
from jax.experimental import pallas as pl
from jax.experimental.pallas import tpu as pltpu
from jax.experimental.pallas import tpu_sc as plsc

B, L, K = 2, 1024, 30
NS, NV = 256, 64
ES, EV = 32, 1
ED = 512
NL = 3
EPS = 1e-8
N = B * L
E = N * K

EBN = 64
EB = EBN * K
GRID_E = N // EBN
NB = 256
GRID_N = N // NB

PD = 512
NW = 32
CHUNK = 128

_f32 = jnp.float32


def _dot(a, b):
    return jnp.dot(a, b, preferred_element_type=_f32)


def _dotb(a, b):
    return jnp.dot(a.astype(jnp.bfloat16), b.astype(jnp.bfloat16),
                   preferred_element_type=_f32)



@functools.partial(jax.jit, static_argnums=(2, 3))
def _sc_gather(table, idx, n_rows, d):
    per_w = n_rows // NW
    n_chunks = per_w // CHUNK
    mesh = plsc.VectorSubcoreMesh(core_axis_name="c", subcore_axis_name="s")

    @functools.partial(
        pl.kernel,
        out_type=jax.ShapeDtypeStruct((n_rows, d), _f32),
        mesh=mesh,
        scratch_types=[
            pltpu.VMEM((per_w,), jnp.int32),
            pltpu.VMEM((CHUNK, d), _f32),
            pltpu.SemaphoreType.DMA,
        ],
    )
    def gk(table_hbm, idx_hbm, out_hbm, idx_v, rows_v, gsem):
        wid = lax.axis_index("s") * 2 + lax.axis_index("c")
        base = pl.multiple_of(wid * per_w, CHUNK)
        pltpu.sync_copy(idx_hbm.at[pl.ds(base, per_w)], idx_v)

        def body(i, carry):
            off = pl.multiple_of(i * CHUNK, CHUNK)
            pltpu.async_copy(
                table_hbm.at[idx_v.at[pl.ds(off, CHUNK)]], rows_v, gsem
            ).wait()
            pltpu.sync_copy(rows_v, out_hbm.at[pl.ds(base + off, CHUNK)])
            return carry

        lax.fori_loop(0, n_chunks, body, 0)

    return gk(table, idx)



def _gvp_block(s, Vx, Vy, Vz, Wh, Wss, Wsv, bs, Wv, Wg, bg, activate):
    Vhx, Vhy, Vhz = _dotb(Vx, Wh), _dotb(Vy, Wh), _dotb(Vz, Wh)
    vn = jnp.sqrt(Vhx * Vhx + Vhy * Vhy + Vhz * Vhz + EPS)
    so = _dotb(s, Wss) + _dotb(vn, Wsv) + bs
    sa = jnp.maximum(so, 0.0) if activate else so
    gate = jax.nn.sigmoid(_dotb(sa, Wg) + bg)
    return (sa, _dotb(Vhx, Wv) * gate, _dotb(Vhy, Wv) * gate,
            _dotb(Vhz, Wv) * gate)


def _ln_sv_block(s, Vx, Vy, Vz):
    mu = jnp.mean(s, axis=1, keepdims=True)
    var = jnp.mean((s - mu) * (s - mu), axis=1, keepdims=True)
    s = (s - mu) / jnp.sqrt(var + 1e-5)
    vn2 = Vx * Vx + Vy * Vy + Vz * Vz
    inv = 1.0 / jnp.sqrt(jnp.mean(vn2, axis=1, keepdims=True) + EPS)
    return s, Vx * inv, Vy * inv, Vz * inv



EEB = 960
EBN2 = 32


def _edge_embed_body(nd, gp, ntab, *rest):
    os_ref, ov_ref = rest[-2], rest[-1]
    wh00, wss, wsv, bs, wv00, wg, bg = [r[...] for r in rest[:-2]]
    rid = lax.broadcasted_iota(jnp.int32, (EEB, EBN2), 0) // K
    cid = lax.broadcasted_iota(jnp.int32, (EEB, EBN2), 1)
    bc = (rid == cid).astype(_f32)
    nt = _dot(bc, ntab[...][:, :8])
    gpp = gp[...]
    res_j = gpp[:, 0:1]
    res_i = nt[:, 0:1]
    dist = jnp.sqrt(jnp.maximum(-nd[...][:, 0:1], 0.0) + EPS)
    mu_r = (lax.broadcasted_iota(jnp.int32, (1, 16), 1).astype(_f32)
            * (20.0 / 15.0))
    rbf = jnp.exp(-(((dist - mu_r) * (16.0 / 20.0)) ** 2))
    off = res_j - res_i
    freqs = jnp.exp(lax.broadcasted_iota(jnp.int32, (1, 8), 1).astype(_f32)
                    * (-np.log(10000.0) / 8.0))
    ang = off * freqs
    pe = jnp.concatenate([jnp.cos(ang), jnp.sin(ang)], axis=1)
    es = jnp.concatenate([rbf, pe], axis=1)
    dv = gpp[:, 1:4] - nt[:, 1:4]
    dvn = dv / jnp.sqrt(jnp.sum(dv * dv, axis=1, keepdims=True) + EPS)
    ev = jnp.concatenate([dvn, jnp.zeros((EEB, 5), _f32)], axis=1)
    vh = ev * wh00
    vn = jnp.sqrt(vh[:, 0:1] ** 2 + vh[:, 1:2] ** 2 + vh[:, 2:3] ** 2 + EPS)
    so = _dot(es, wss) + vn * wsv + bs
    gate = jax.nn.sigmoid(_dot(so, wg) + bg)
    vo = vh * (wv00 * gate)
    mu = jnp.mean(so, axis=1, keepdims=True)
    var = jnp.mean((so - mu) * (so - mu), axis=1, keepdims=True)
    os_ref[...] = (so - mu) / jnp.sqrt(var + 1e-5)
    vn2 = vo[:, 0:1] ** 2 + vo[:, 1:2] ** 2 + vo[:, 2:3] ** 2
    ov_ref[...] = vo / jnp.sqrt(vn2 + EPS)


def _edge_embed(nd, gp, ntab, p):
    grid = E // EEB
    wh00 = p['Wh'].reshape(1, 1)
    wv00 = p['Wv'].reshape(1, 1)
    wss = p['Ws'][:ES]
    wsv = p['Ws'][ES:ES + 1]
    bs = p['bs'].reshape(1, ES)
    wg = p['Wg']
    bg = p['bg'].reshape(1, 1)
    const = lambda shp: pl.BlockSpec(shp, lambda i: (0, 0))
    return pl.pallas_call(
        _edge_embed_body,
        grid=(grid,),
        in_specs=[
            pl.BlockSpec((EEB, 8), lambda i: (i, 0)),
            pl.BlockSpec((EEB, 128), lambda i: (i, 0)),
            pl.BlockSpec((EBN2, 128), lambda i: (i, 0)),
            const((1, 1)), const((ES, ES)), const((1, ES)), const((1, ES)),
            const((1, 1)), const((ES, 1)), const((1, 1)),
        ],
        out_specs=[
            pl.BlockSpec((EEB, ES), lambda i: (i, 0)),
            pl.BlockSpec((EEB, 8), lambda i: (i, 0)),
        ],
        out_shape=[
            jax.ShapeDtypeStruct((E, ES), _f32),
            jax.ShapeDtypeStruct((E, 8), _f32),
        ],
    )(nd, gp, ntab, wh00, wss, wsv, bs, wv00, wg, bg)



def _edge_msg_body(g, es, ev, hsvd, *rest):
    os_ref, ov_ref = rest[-2], rest[-1]
    (whs, whe, whd, wss0, wse0, wsd0, wsv0, bs0, wv0, wg0, bg0,
     wh1, wss1, wsv1, bs1, wv1, wg1, bg1,
     wh2, wss2, wsv2, bs2, wv2, wg2, bg2) = [r[...] for r in rest[:-2]]
    gg = g[...]
    gs = gg[:, :NS]
    gv = [gg[:, NS + 64 * c:NS + 64 * (c + 1)] for c in range(3)]
    hd = hsvd[...]
    hs_dn = hd[:, :NS]
    hv_dn = [hd[:, NS + 64 * c:NS + 64 * (c + 1)] for c in range(3)]
    rid = lax.broadcasted_iota(jnp.int32, (EB, EBN), 0) // K
    cid = lax.broadcasted_iota(jnp.int32, (EB, EBN), 1)
    bc = (rid == cid).astype(_f32)
    rid2 = lax.broadcasted_iota(jnp.int32, (EBN, EB), 0)
    cid2 = lax.broadcasted_iota(jnp.int32, (EBN, EB), 1) // K
    pm = (rid2 == cid2).astype(_f32) * (1.0 / K)

    hs_d = _dot(bc, hs_dn)
    hvdx = _dot(bc, hv_dn[0])
    hvdy = _dot(bc, hv_dn[1])
    hvdz = _dot(bc, hv_dn[2])

    evv = ev[...]
    Vhx = _dotb(gv[0], whs) + evv[:, 0:1] * whe + _dotb(hvdx, whd)
    Vhy = _dotb(gv[1], whs) + evv[:, 1:2] * whe + _dotb(hvdy, whd)
    Vhz = _dotb(gv[2], whs) + evv[:, 2:3] * whe + _dotb(hvdz, whd)
    vn = jnp.sqrt(Vhx * Vhx + Vhy * Vhy + Vhz * Vhz + EPS)
    so = (_dotb(gs, wss0) + _dotb(es[...], wse0) + _dotb(hs_d, wsd0)
          + _dotb(vn, wsv0) + bs0)
    s = jnp.maximum(so, 0.0)
    gate = jax.nn.sigmoid(_dotb(s, wg0) + bg0)
    Vx = _dotb(Vhx, wv0) * gate
    Vy = _dotb(Vhy, wv0) * gate
    Vz = _dotb(Vhz, wv0) * gate

    s, Vx, Vy, Vz = _gvp_block(s, Vx, Vy, Vz, wh1, wss1, wsv1, bs1, wv1, wg1,
                               bg1, True)
    s, Vx, Vy, Vz = _gvp_block(s, Vx, Vy, Vz, wh2, wss2, wsv2, bs2, wv2, wg2,
                               bg2, False)

    os_ref[...] = _dot(pm, s)
    ov_ref[0] = _dot(pm, Vx)
    ov_ref[1] = _dot(pm, Vy)
    ov_ref[2] = _dot(pm, Vz)


def _edge_msg(g, es, ev, hsv, lp):
    m0, m1, m2 = lp['m0'], lp['m1'], lp['m2']
    H0 = 2 * NV + EV
    w = [
        m0['Wh'][:NV], m0['Wh'][NV:NV + 1], m0['Wh'][NV + 1:],
        m0['Ws'][:NS], m0['Ws'][NS:NS + ES], m0['Ws'][NS + ES:2 * NS + ES],
        m0['Ws'][2 * NS + ES:], m0['bs'].reshape(1, NS), m0['Wv'],
        m0['Wg'], m0['bg'].reshape(1, NV),
    ]
    for m in (m1, m2):
        w += [m['Wh'], m['Ws'][:NS], m['Ws'][NS:], m['bs'].reshape(1, NS),
              m['Wv'], m['Wg'], m['bg'].reshape(1, NV)]
    c2 = lambda shp: pl.BlockSpec(shp, lambda i: (0, 0))
    wspecs = [c2(x.shape) for x in w]
    return pl.pallas_call(
        _edge_msg_body,
        grid=(GRID_E,),
        in_specs=[
            pl.BlockSpec((EB, PD), lambda i: (i, 0)),
            pl.BlockSpec((EB, ES), lambda i: (i, 0)),
            pl.BlockSpec((EB, 8), lambda i: (i, 0)),
            pl.BlockSpec((EBN, PD), lambda i: (i, 0)),
        ] + wspecs,
        out_specs=[
            pl.BlockSpec((EBN, NS), lambda i: (i, 0)),
            pl.BlockSpec((3, EBN, NV), lambda i: (0, i, 0)),
        ],
        out_shape=[
            jax.ShapeDtypeStruct((N, NS), _f32),
            jax.ShapeDtypeStruct((3, N, NV), _f32),
        ],
    )(g, es, ev, hsv, *w)



def _node_upd_body(hsv, ags, agv, *rest):
    o_ref = rest[-1]
    (whf0, wssf0, wsvf0, bsf0, wvf0, wgf0, bgf0,
     whf1, wssf1, wsvf1, bsf1, wvf1, wgf1, bgf1) = [r[...] for r in rest[:-1]]
    h = hsv[...]
    s = h[:, :NS] + ags[...]
    Vx = h[:, NS:NS + NV] + agv[0]
    Vy = h[:, NS + NV:NS + 2 * NV] + agv[1]
    Vz = h[:, NS + 2 * NV:NS + 3 * NV] + agv[2]
    s, Vx, Vy, Vz = _ln_sv_block(s, Vx, Vy, Vz)
    fs, fVx, fVy, fVz = _gvp_block(s, Vx, Vy, Vz, whf0, wssf0, wsvf0, bsf0,
                                   wvf0, wgf0, bgf0, True)
    fs, fVx, fVy, fVz = _gvp_block(fs, fVx, fVy, fVz, whf1, wssf1, wsvf1, bsf1,
                                   wvf1, wgf1, bgf1, False)
    s, Vx, Vy, Vz = _ln_sv_block(s + fs, Vx + fVx, Vy + fVy, Vz + fVz)
    o_ref[...] = jnp.concatenate(
        [s, Vx, Vy, Vz, jnp.zeros((s.shape[0], PD - NS - 3 * NV), _f32)],
        axis=1)


def _node_upd(hsv, ags, agv, lp):
    w = []
    for m in (lp['f0'], lp['f1']):
        w += [m['Wh'], m['Ws'][:NS], m['Ws'][NS:], m['bs'].reshape(1, NS),
              m['Wv'], m['Wg'], m['bg'].reshape(1, NV)]
    c2 = lambda shp: pl.BlockSpec(shp, lambda i: (0, 0))
    wspecs = [c2(x.shape) for x in w]
    return pl.pallas_call(
        _node_upd_body,
        grid=(GRID_N,),
        in_specs=[
            pl.BlockSpec((NB, PD), lambda i: (i, 0)),
            pl.BlockSpec((NB, NS), lambda i: (i, 0)),
            pl.BlockSpec((3, NB, NV), lambda i: (0, i, 0)),
        ] + wspecs,
        out_specs=pl.BlockSpec((NB, PD), lambda i: (i, 0)),
        out_shape=jax.ShapeDtypeStruct((N, PD), _f32),
    )(hsv, ags, agv, *w)



def _out_proj_body(hsv, rm, base, msk, *rest):
    out_ref = rest[-1]
    w0, w_0, w_1, w_2 = [r[...] for r in rest[:-1]]
    h = hsv[...]
    acc = _dot(h[:, :NS], w0) + base[...]
    Vx = h[:, NS:NS + NV]
    Vy = h[:, NS + NV:NS + 2 * NV]
    Vz = h[:, NS + 2 * NV:NS + 3 * NV]
    r = rm[...]
    wj = (w_0, w_1, w_2)
    for j in range(3):
        rot = (Vx * r[:, 3 * j:3 * j + 1] + Vy * r[:, 3 * j + 1:3 * j + 2]
               + Vz * r[:, 3 * j + 2:3 * j + 3])
        acc = acc + _dot(rot, wj[j])
    out_ref[...] = acc * msk[:, 0:1]


def _out_proj(hsv, rm, base, msk, w_out):
    w0 = w_out[:NS]
    ws = [w_out[NS + j::3] for j in range(3)]
    c2 = lambda shp: pl.BlockSpec(shp, lambda i: (0, 0))
    return pl.pallas_call(
        _out_proj_body,
        grid=(GRID_N,),
        in_specs=[
            pl.BlockSpec((NB, PD), lambda i: (i, 0)),
            pl.BlockSpec((NB, 16), lambda i: (i, 0)),
            pl.BlockSpec((NB, ED), lambda i: (i, 0)),
            pl.BlockSpec((NB, 8), lambda i: (i, 0)),
            c2(w0.shape), c2(ws[0].shape), c2(ws[1].shape), c2(ws[2].shape),
        ],
        out_specs=pl.BlockSpec((NB, ED), lambda i: (i, 0)),
        out_shape=jax.ShapeDtypeStruct((N, ED), _f32),
    )(hsv, rm, base, msk, w0, *ws)



def _norm_j(v, axis=-1, keepdims=False):
    return jnp.sqrt(jnp.sum(v * v, axis=axis, keepdims=keepdims) + EPS)


def _normalize_j(v, axis=-1):
    return v / _norm_j(v, axis=axis, keepdims=True)


def _gvp_apply_j(p, s, V, activate=True):
    Vh = jnp.einsum('...vi,vh->...hi', V, p['Wh'])
    vn = _norm_j(Vh, axis=-1)
    s_out = jnp.concatenate([s, vn], axis=-1) @ p['Ws'] + p['bs']
    Vo = jnp.einsum('...hi,hv->...vi', Vh, p['Wv'])
    gate = (jax.nn.relu(s_out) if activate else s_out) @ p['Wg'] + p['bg']
    Vo = Vo * jax.nn.sigmoid(gate)[..., None]
    if activate:
        s_out = jax.nn.relu(s_out)
    return s_out, Vo


def _ln_sv_j(s, V):
    mu = jnp.mean(s, axis=-1, keepdims=True)
    var = jnp.var(s, axis=-1, keepdims=True)
    s = (s - mu) / jnp.sqrt(var + 1e-5)
    vn2 = jnp.sum(V * V, axis=-1)
    denom = jnp.sqrt(jnp.mean(vn2, axis=-1, keepdims=True) + EPS)[..., None]
    return s, V / denom


def _ln_j(x):
    mu = jnp.mean(x, axis=-1, keepdims=True)
    var = jnp.var(x, axis=-1, keepdims=True)
    return (x - mu) / jnp.sqrt(var + 1e-5)


def kernel(gt_backbone_pos, single_mask, single_res_rel, aatype, condition_mask, params):
    X = gt_backbone_pos * condition_mask[..., None, None]
    N_, CA, C = X[..., 0, :], X[..., 1, :], X[..., 2, :]
    Xf = X.reshape(B, 3 * L, 3)
    dX = Xf[:, 1:] - Xf[:, :-1]
    U = _normalize_j(dX)
    u2, u1, u0 = U[:, :-2], U[:, 1:-1], U[:, 2:]
    n2 = _normalize_j(jnp.cross(u2, u1))
    n1 = _normalize_j(jnp.cross(u1, u0))
    cosD = jnp.clip(jnp.sum(n2 * n1, -1), -1 + 1e-7, 1 - 1e-7)
    D = jnp.sign(jnp.sum(u2 * n1, -1)) * jnp.arccos(cosD)
    D = jnp.pad(D, ((0, 0), (1, 2)))
    D = D.reshape(B, L, 3)
    dih = jnp.concatenate([jnp.cos(D), jnp.sin(D)], axis=-1)
    v1 = C - CA
    v2 = N_ - CA
    e1 = _normalize_j(v1)
    u2r = v2 - e1 * jnp.sum(e1 * v2, -1, keepdims=True)
    e2 = _normalize_j(u2r)
    e3 = jnp.cross(e1, e2)
    R = jnp.stack([e1, e2, e3], axis=-2)
    fwd = _normalize_j(jnp.pad(CA[:, 1:] - CA[:, :-1], ((0, 0), (0, 1), (0, 0))))
    bwd = _normalize_j(jnp.pad(CA[:, :-1] - CA[:, 1:], ((0, 0), (1, 0), (0, 0))))
    nv_ = _normalize_j(N_ - CA)
    cv_ = _normalize_j(C - CA)
    bis = _normalize_j(nv_ + cv_)
    perp = _normalize_j(jnp.cross(nv_, cv_))
    side = -bis * np.sqrt(1.0 / 3.0) - perp * np.sqrt(2.0 / 3.0)
    node_V = jnp.stack([fwd, bwd, side], axis=-2)
    d2 = jnp.sum((CA[:, :, None, :] - CA[:, None, :, :]) ** 2, -1)
    d2 = d2 + jnp.eye(L, dtype=_f32)[None] * 1e10
    negd, eidx = jax.lax.top_k(-d2, K)
    res_f = single_res_rel.astype(_f32).reshape(N, 1)
    ntab = jnp.concatenate(
        [res_f, CA.reshape(N, 3), jnp.zeros((N, 124), _f32)], axis=1)
    nd = jnp.pad(negd.reshape(E, 1), ((0, 0), (0, 7)))

    hs0, hV0 = _gvp_apply_j(params['ng'], dih, node_V, activate=False)
    hs0, hV0 = _ln_sv_j(hs0, hV0)
    hv0f = hV0.reshape(N, NV, 3)
    hsv = jnp.concatenate(
        [hs0.reshape(N, NS), hv0f[:, :, 0], hv0f[:, :, 1], hv0f[:, :, 2],
         jnp.zeros((N, PD - NS - 3 * NV), _f32)], axis=1)

    offs = (jnp.arange(B, dtype=jnp.int32) * L)[:, None, None]
    src = (eidx.astype(jnp.int32) + offs).reshape(-1)

    gp = _sc_gather(ntab, src, E, 128)
    es_, ev_ = _edge_embed(nd, gp, ntab, params['eg'])

    for l in range(NL):
        lp = params['layers'][l]
        g = _sc_gather(hsv, src, E, PD)
        ags, agv = _edge_msg(g, es_, ev_, hsv, lp)
        hsv = _node_upd(hsv, ags, agv, lp)

    Rt_flat = R.reshape(N, 9)
    rm = jnp.pad(Rt_flat, ((0, 0), (0, 7)))
    rot_in = jnp.einsum('blvi,blij->blvj', node_V, jnp.swapaxes(R, -2, -1))
    in_feat = jnp.concatenate([dih, rot_in.reshape(B, L, 9)], axis=-1)
    comp_in = (in_feat @ params['w_in'] + params['b_in']) * np.sqrt(ED)
    conf = jnp.ones((B, L), _f32)
    mu_c = jnp.linspace(0.0, 1.0, 16)
    rbf_c = jnp.exp(-(((conf[..., None] - mu_c) * 16.0) ** 2))
    comp_conf = rbf_c @ params['w_conf'] + params['b_conf']
    comp_dih = _ln_j(dih @ params['w_dih'] + params['b_dih'])
    comp_aa = jnp.broadcast_to(params['aa_emb'][0], (B, L, ED))
    base = (comp_in + comp_dih + comp_conf + comp_aa
            + params['b_out']).reshape(N, ED)
    msk = jnp.pad(single_mask.reshape(N, 1), ((0, 0), (0, 7)))
    out = _out_proj(hsv, rm, base, msk, params['w_out'])
    return out.reshape(B, L, ED)

# --- scband reference (transcript-rebuilt; emitter-appended) ---
"""Pipeline reference for scband-gvpstructure-embedding-33535104647908 (READ-ONLY COPY).

The authoritative reference and input builder live on the scoring server;
editing this copy changes nothing except your own understanding.
"""

import jax, jax.numpy as jnp
import numpy as np

B, L, K = 2, 1024, 30
NS, NV = 256, 64
ES, EV = 32, 1
ED = 512
NL = 3
EPS = 1e-8

def _norm(v, axis=-1, keepdims=False):
    return jnp.sqrt(jnp.sum(v * v, axis=axis, keepdims=keepdims) + EPS)

def _normalize(v, axis=-1):
    return v / _norm(v, axis=axis, keepdims=True)

def _gvp_params(key, si, vi, so, vo):
    h = max(vi, vo)
    ks = jax.random.split(key, 4)
    return {
        'Wh': jax.random.normal(ks[0], (vi, h), jnp.float32) / np.sqrt(vi),
        'Ws': jax.random.normal(ks[1], (si + h, so), jnp.float32) / np.sqrt(si + h),
        'bs': jnp.zeros((so,), jnp.float32),
        'Wv': jax.random.normal(ks[2], (h, vo), jnp.float32) / np.sqrt(h),
        'Wg': jax.random.normal(ks[3], (so, vo), jnp.float32) / np.sqrt(so),
        'bg': jnp.zeros((vo,), jnp.float32),
    }

def _linear_params(key, din, dout):
    return (jax.random.normal(key, (din, dout), jnp.float32) / np.sqrt(din),
            jnp.zeros((dout,), jnp.float32))

def setup_inputs(seed: int = 0):
    key = jax.random.key(seed)
    ks = jax.random.split(key, 32)
    gt_backbone_pos = jax.random.normal(ks[0], (B, L, 3, 3), jnp.float32) * 3.0
    single_mask = jnp.ones((B, L), jnp.float32)
    condition_mask = jnp.ones((B, L), jnp.float32)
    single_res_rel = jnp.sort(jax.random.randint(ks[1], (B, L), 0, 1024, jnp.int32), axis=-1)
    aatype = jax.random.randint(ks[2], (B, L), 0, 22, jnp.int32)
    layers = []
    for l in range(NL):
        lk = jax.random.split(ks[3 + l], 5)
        layers.append({
            'm0': _gvp_params(lk[0], 2 * NS + ES, 2 * NV + EV, NS, NV),
            'm1': _gvp_params(lk[1], NS, NV, NS, NV),
            'm2': _gvp_params(lk[2], NS, NV, NS, NV),
            'f0': _gvp_params(lk[3], NS, NV, NS, NV),
            'f1': _gvp_params(lk[4], NS, NV, NS, NV),
        })
    w_in, b_in = _linear_params(ks[10], 15, ED)
    w_conf, b_conf = _linear_params(ks[11], 16, ED)
    w_dih, b_dih = _linear_params(ks[12], 6, ED)
    w_out, b_out = _linear_params(ks[13], NS + 3 * NV, ED)
    params = {
        'ng': _gvp_params(ks[14], 6, 3, NS, NV),
        'eg': _gvp_params(ks[15], 32, 1, ES, EV),
        'layers': layers,
        'w_in': w_in, 'b_in': b_in,
        'w_conf': w_conf, 'b_conf': b_conf,
        'w_dih': w_dih, 'b_dih': b_dih,
        'w_out': w_out, 'b_out': b_out,
        'aa_emb': jax.random.normal(ks[16], (22, ED), jnp.float32) * 0.02,
    }
    return {'gt_backbone_pos': gt_backbone_pos, 'single_mask': single_mask,
            'single_res_rel': single_res_rel, 'aatype': aatype,
            'condition_mask': condition_mask, 'params': params}

def _gvp_apply(p, s, V, activate=True):
    Vh = jnp.einsum('...vi,vh->...hi', V, p['Wh'])
    vn = _norm(Vh, axis=-1)
    s_out = jnp.concatenate([s, vn], axis=-1) @ p['Ws'] + p['bs']
    Vo = jnp.einsum('...hi,hv->...vi', Vh, p['Wv'])
    gate = (jax.nn.relu(s_out) if activate else s_out) @ p['Wg'] + p['bg']
    Vo = Vo * jax.nn.sigmoid(gate)[..., None]
    if activate:
        s_out = jax.nn.relu(s_out)
    return s_out, Vo

def _ln_sv(s, V):
    mu = jnp.mean(s, axis=-1, keepdims=True)
    var = jnp.var(s, axis=-1, keepdims=True)
    s = (s - mu) / jnp.sqrt(var + 1e-5)
    vn2 = jnp.sum(V * V, axis=-1)
    denom = jnp.sqrt(jnp.mean(vn2, axis=-1, keepdims=True) + EPS)[..., None]
    return s, V / denom

def _ln(x):
    mu = jnp.mean(x, axis=-1, keepdims=True)
    var = jnp.var(x, axis=-1, keepdims=True)
    return (x - mu) / jnp.sqrt(var + 1e-5)

def _forward(coords_in, params, single_mask, single_res_rel, aatype, condition_mask):
    X = coords_in * condition_mask[..., None, None]
    N_, CA, C = X[..., 0, :], X[..., 1, :], X[..., 2, :]
    Xf = X.reshape(B, 3 * L, 3)
    dX = Xf[:, 1:] - Xf[:, :-1]
    U = _normalize(dX)
    u2, u1, u0 = U[:, :-2], U[:, 1:-1], U[:, 2:]
    n2 = _normalize(jnp.cross(u2, u1))
    n1 = _normalize(jnp.cross(u1, u0))
    cosD = jnp.clip(jnp.sum(n2 * n1, -1), -1 + 1e-7, 1 - 1e-7)
    D = jnp.sign(jnp.sum(u2 * n1, -1)) * jnp.arccos(cosD)
    D = jnp.pad(D, ((0, 0), (1, 2)))
    D = D.reshape(B, L, 3)
    dih = jnp.concatenate([jnp.cos(D), jnp.sin(D)], axis=-1)
    v1 = C - CA
    v2 = N_ - CA
    e1 = _normalize(v1)
    u2r = v2 - e1 * jnp.sum(e1 * v2, -1, keepdims=True)
    e2 = _normalize(u2r)
    e3 = jnp.cross(e1, e2)
    R = jnp.stack([e1, e2, e3], axis=-2)
    fwd = _normalize(jnp.pad(CA[:, 1:] - CA[:, :-1], ((0, 0), (0, 1), (0, 0))))
    bwd = _normalize(jnp.pad(CA[:, :-1] - CA[:, 1:], ((0, 0), (1, 0), (0, 0))))
    nv_ = _normalize(N_ - CA)
    cv_ = _normalize(C - CA)
    bis = _normalize(nv_ + cv_)
    perp = _normalize(jnp.cross(nv_, cv_))
    side = -bis * np.sqrt(1.0 / 3.0) - perp * np.sqrt(2.0 / 3.0)
    node_V = jnp.stack([fwd, bwd, side], axis=-2)
    d2 = jnp.sum((CA[:, :, None, :] - CA[:, None, :, :]) ** 2, -1)
    d2 = d2 + jnp.eye(L, dtype=jnp.float32)[None] * 1e10
    negd, eidx = jax.lax.top_k(-d2, K)
    dist = jnp.sqrt(jnp.maximum(-negd, 0.0) + EPS)
    mu_r = jnp.linspace(0.0, 20.0, 16)
    rbf = jnp.exp(-(((dist[..., None] - mu_r) / (20.0 / 16.0)) ** 2))
    res = single_res_rel.astype(jnp.int32)
    res_j = jax.vmap(lambda r, e: r[e])(res, eidx)
    off = (res_j - res[:, :, None]).astype(jnp.float32)
    freqs = jnp.exp(-np.log(10000.0) * jnp.arange(8) / 8.0)
    ang = off[..., None] * freqs
    pe = jnp.concatenate([jnp.cos(ang), jnp.sin(ang)], axis=-1)
    edge_s = jnp.concatenate([rbf, pe], axis=-1)
    CA_j = jax.vmap(lambda c, e: c[e])(CA, eidx)
    edge_V = _normalize(CA_j - CA[:, :, None, :])[..., None, :]
    hs, hV = _gvp_apply(params['ng'], dih, node_V, activate=False)
    hs, hV = _ln_sv(hs, hV)
    es_, eV = _gvp_apply(params['eg'], edge_s, edge_V, activate=False)
    es_, eV = _ln_sv(es_, eV)
    Ntot = B * L
    hs = hs.reshape(Ntot, NS)
    hV = hV.reshape(Ntot, NV, 3)
    es_ = es_.reshape(Ntot * K, ES)
    eV = eV.reshape(Ntot * K, EV, 3)
    offs = (jnp.arange(B) * L)[:, None, None]
    src = (eidx + offs).reshape(-1)
    dst = (jnp.zeros_like(eidx) + jnp.arange(L)[None, :, None] + offs).reshape(-1)
    for l in range(NL):
        lp = params['layers'][l]
        ms = jnp.concatenate([hs[src], es_, hs[dst]], axis=-1)
        mV = jnp.concatenate([hV[src], eV, hV[dst]], axis=-2)
        ms, mV = _gvp_apply(lp['m0'], ms, mV, True)
        ms, mV = _gvp_apply(lp['m1'], ms, mV, True)
        ms, mV = _gvp_apply(lp['m2'], ms, mV, False)
        agg_s = jax.ops.segment_sum(ms, dst, num_segments=Ntot) / K
        agg_V = jax.ops.segment_sum(mV, dst, num_segments=Ntot) / K
        hs, hV = _ln_sv(hs + agg_s, hV + agg_V)
        fs, fV = _gvp_apply(lp['f0'], hs, hV, True)
        fs, fV = _gvp_apply(lp['f1'], fs, fV, False)
        hs, hV = _ln_sv(hs + fs, hV + fV)
    gvp_s = hs.reshape(B, L, NS)
    gvp_V = hV.reshape(B, L, NV, 3)
    Rt = jnp.swapaxes(R, -2, -1)
    rot_out = jnp.einsum('blvi,blij->blvj', gvp_V, Rt)
    gvp_feat = jnp.concatenate([gvp_s, rot_out.reshape(B, L, 3 * NV)], axis=-1)
    comp_gvp_out = gvp_feat @ params['w_out'] + params['b_out']
    rot_in = jnp.einsum('blvi,blij->blvj', node_V, Rt)
    in_feat = jnp.concatenate([dih, rot_in.reshape(B, L, 9)], axis=-1)
    comp_in = (in_feat @ params['w_in'] + params['b_in']) * np.sqrt(ED)
    conf = jnp.ones((B, L), jnp.float32)
    mu_c = jnp.linspace(0.0, 1.0, 16)
    rbf_c = jnp.exp(-(((conf[..., None] - mu_c) * 16.0) ** 2))
    comp_conf = rbf_c @ params['w_conf'] + params['b_conf']
    comp_dih = _ln(dih @ params['w_dih'] + params['b_dih'])
    aat = jnp.zeros_like(aatype)
    comp_aa = params['aa_emb'][aat]
    out = comp_in + comp_dih + comp_conf + comp_gvp_out + comp_aa
    return out * single_mask[..., None]

def reference(gt_backbone_pos, single_mask, single_res_rel, aatype, condition_mask, params):
    return _forward(gt_backbone_pos, params, single_mask, single_res_rel, aatype, condition_mask)

if __name__ == "__main__":
    import jax
    _d = setup_inputs()
    print(jax.jit(kernel)(*tuple(_d.values())))

</pallas_src>

<mosaic_0001>
#map = affine_map<(d0, d1) -> (0, 0)>
#map1 = affine_map<(d0, d1) -> (0)>
module attributes {stable_mosaic.version = 14 : i64} {
  func.func @gk(%arg0: i32, %arg1: i32, %arg2: memref<2048x128xf32, #tpu.memory_space<hbm>>, %arg3: memref<61440xi32, #tpu.memory_space<hbm>>, %arg4: memref<61440x128xf32, #tpu.memory_space<hbm>>, %arg5: memref<1920xi32, #tpu.memory_space<vmem>>, %arg6: memref<128x128xf32, #tpu.memory_space<vmem>>, %arg7: memref<!tpu.dma_semaphore, #tpu.memory_space<semaphore_mem>>) attributes {dimension_semantics = [#tpu.dimension_semantics<core_parallel>, #tpu.dimension_semantics<subcore_parallel>], iteration_bounds = array<i64: 2, 16>, scalar_prefetch = 0 : i64, scratch_operands = 3 : i64, tpu.core_type = #tpu.core_type<sc_vector_subcore>, window_params = [{transform_indices = #map}, {transform_indices = #map1}, {transform_indices = #map}]} {
    %mul3A = arith.constant 2 : i32
    %mul3A_0 = arith.muli %arg1, %mul3A : i32
    %add3A = arith.addi %mul3A_0, %arg0 : i32
    %mul3A_1 = arith.constant 1920 : i32
    %mul3A_2 = arith.muli %add3A, %mul3A_1 : i32
    %multiple_of3A = tpu.assume_multiple %mul3A_2, 128 : i32
    "tpu.region"() ({
      %run_scoped3A = tpu.sem_alloc : memref<!tpu.dma_semaphore, #tpu.memory_space<semaphore_mem>>
      %dma_start3A = tpu.memref_slice %arg3[%multiple_of3A] : memref<61440xi32, #tpu.memory_space<hbm>> -> memref<1920xi32, #tpu.memory_space<hbm>>
      %dma_start3A_8 = tpu.memref_slice %arg3[%multiple_of3A] : memref<61440xi32, #tpu.memory_space<hbm>> -> memref<1920xi32, #tpu.memory_space<hbm>>
      tpu.enqueue_dma source(%dma_start3A_8 : memref<1920xi32, #tpu.memory_space<hbm>>) target(%arg5 : memref<1920xi32, #tpu.memory_space<vmem>>) target_semaphore(%run_scoped3A : memref<!tpu.dma_semaphore, #tpu.memory_space<semaphore_mem>>)
      %dma_wait3A = tpu.memref_slice %arg3[%multiple_of3A] : memref<61440xi32, #tpu.memory_space<hbm>> -> memref<1920xi32, #tpu.memory_space<hbm>>
      %dma_wait3A_9 = tpu.memref_slice %arg3[%multiple_of3A] : memref<61440xi32, #tpu.memory_space<hbm>> -> memref<1920xi32, #tpu.memory_space<hbm>>
      tpu.wait_dma2 semaphore(%run_scoped3A : memref<!tpu.dma_semaphore, #tpu.memory_space<semaphore_mem>>) src(%dma_wait3A_9 : memref<1920xi32, #tpu.memory_space<hbm>>) dst(%arg5 : memref<1920xi32, #tpu.memory_space<vmem>>)
      tpu.yield
    }) : () -> ()
    %scan3A = arith.constant 0 : i32
    %scan3A_3 = arith.constant 0 : i32
    %scan3A_4 = arith.constant 15 : i32
    %scan3A_5 = arith.addi %scan3A_3, %scan3A_4 : i32
    %scan3A_6 = arith.constant 1 : i32
    scf.for %scan3A_8 = %scan3A_3 to %scan3A_5 step %scan3A_6  : i32 {
      %mul3A_9 = arith.constant 128 : i32
      %mul3A_10 = arith.muli %scan3A_8, %mul3A_9 : i32
      %multiple_of3A_11 = tpu.assume_multiple %mul3A_10, 128 : i32
      %dma_start3A = tpu.memref_slice %arg5[%multiple_of3A_11] : memref<1920xi32, #tpu.memory_space<vmem>> -> memref<128xi32, #tpu.memory_space<vmem>>
      %dma_start3A_12 = arith.constant 0 : i32
      %dma_start3A_13 = arith.constant 0 : i32
      %dma_start3A_14 = tpu.memref_slice %arg2[%dma_start3A_12, %dma_start3A_13] : memref<2048x128xf32, #tpu.memory_space<hbm>> -> memref<2048x128xf32, #tpu.memory_space<hbm>>
      tpu.enqueue_indirect_dma source(%dma_start3A_14 : memref<2048x128xf32, #tpu.memory_space<hbm>>) target(%arg6 : memref<128x128xf32, #tpu.memory_space<vmem>>) offsets(%dma_start3A : memref<128xi32, #tpu.memory_space<vmem>>) semaphore(%arg7 : memref<!tpu.dma_semaphore, #tpu.memory_space<semaphore_mem>>)
      %dma_wait3A = tpu.memref_slice %arg5[%multiple_of3A_11] : memref<1920xi32, #tpu.memory_space<vmem>> -> memref<128xi32, #tpu.memory_space<vmem>>
      %dma_wait3A_15 = arith.constant 0 : i32
      %dma_wait3A_16 = arith.constant 0 : i32
      %dma_wait3A_17 = tpu.memref_slice %arg2[%dma_wait3A_15, %dma_wait3A_16] : memref<2048x128xf32, #tpu.memory_space<hbm>> -> memref<2048x128xf32, #tpu.memory_space<hbm>>
      tpu.wait_indirect_dma semaphore(%arg7 : memref<!tpu.dma_semaphore, #tpu.memory_space<semaphore_mem>>) src(%dma_wait3A_17 : memref<2048x128xf32, #tpu.memory_space<hbm>>) dst(%arg6 : memref<128x128xf32, #tpu.memory_space<vmem>>)
      %add3A_18 = arith.addi %multiple_of3A, %multiple_of3A_11 : i32
      "tpu.region"() ({
        %run_scoped3A = tpu.sem_alloc : memref<!tpu.dma_semaphore, #tpu.memory_space<semaphore_mem>>
        %dma_start3A_19 = arith.constant 0 : i32
        %dma_start3A_20 = tpu.memref_slice %arg4[%add3A_18, %dma_start3A_19] : memref<61440x128xf32, #tpu.memory_space<hbm>> -> memref<128x128xf32, #tpu.memory_space<hbm>>
        %dma_start3A_21 = arith.constant 0 : i32
        %dma_start3A_22 = tpu.memref_slice %arg4[%add3A_18, %dma_start3A_21] : memref<61440x128xf32, #tpu.memory_space<hbm>> -> memref<128x128xf32, #tpu.memory_space<hbm>>
        tpu.enqueue_dma source(%arg6 : memref<128x128xf32, #tpu.memory_space<vmem>>) target(%dma_start3A_22 : memref<128x128xf32, #tpu.memory_space<hbm>>) target_semaphore(%run_scoped3A : memref<!tpu.dma_semaphore, #tpu.memory_space<semaphore_mem>>)
        %dma_wait3A_23 = arith.constant 0 : i32
        %dma_wait3A_24 = tpu.memref_slice %arg4[%add3A_18, %dma_wait3A_23] : memref<61440x128xf32, #tpu.memory_space<hbm>> -> memref<128x128xf32, #tpu.memory_space<hbm>>
        %dma_wait3A_25 = arith.constant 0 : i32
        %dma_wait3A_26 = tpu.memref_slice %arg4[%add3A_18, %dma_wait3A_25] : memref<61440x128xf32, #tpu.memory_space<hbm>> -> memref<128x128xf32, #tpu.memory_space<hbm>>
        tpu.wait_dma2 semaphore(%run_scoped3A : memref<!tpu.dma_semaphore, #tpu.memory_space<semaphore_mem>>) src(%arg6 : memref<128x128xf32, #tpu.memory_space<vmem>>) dst(%dma_wait3A_26 : memref<128x128xf32, #tpu.memory_space<hbm>>)
        tpu.yield
      }) : () -> ()
    }
    %scan3A_7 = arith.constant 15 : i32
    return
  }
}

</mosaic_0001>

<sc_bundles>
// kernel: _sc_gather.3.cloned.1.call-start
scs
__scs_entry_jumppad:
0x0: {  	(pc) =	sbr.rel $0x88, $3  }
0x1: {  	(tag) =	ssettag $0x0;
	lr =	simm.s32 $0x1  }
0x2: {  	[smem:$0x3F9F] =	sst lr;
	_ =	strace $0xD0000000  }
0x3: {  	_ = 	snop  }
0x4: {  	_ = 	snop  }
0x5: {  	_ = 	snop  }
0x6: {  	_ = 	snop  }
0x7: {  	_ = 	snop  }
__scs_overlays_trampoline_lowered:
0x8: {  	[smem:$0x3FAE] =	sst s0  }
0x9: {  	[smem:$0x3FAF] =	sst s1  }
0xa: {  	[smem:$0x3FB0] =	sst s2  }
0xb: {  	[smem:$0x3FB1] =	sst s3  }
0xc: {  	[smem:$0x3FB2] =	sst s4  }
0xd: {  	[smem:$0x3FB3] =	sst s5  }
0xe: {  	[smem:$0x3FB4] =	sst s6  }
0xf: {  	[smem:$0x3FB5] =	sst s7  }
0x10: {  	[smem:$0x3FB6] =	sst s8  }
0x11: {  	[smem:$0x3FB7] =	sst s9;
	s0 =	simm.s32 @!p0 $0x0  }
0x12: {  	s1 =	sld [smem:$0x3F9D];
	s0 =	simm.s32 @p0 $0x1  }
0x13: {  	[smem:$0x3FB8] =	sst s0;
	s0 =	simm.s32 @!p1 $0x0  }
0x14: {  	s2 =	sld [smem:$0x3F9C];
	s0 =	simm.s32 @p1 $0x1  }
0x15: {  	[smem:$0x3FB9] =	sst s0;
	s0 =	simm.s32 @!p2 $0x0  }
0x16: {  	s3 =	sld [smem:$0x3FDB];
	s0 =	simm.s32 @p2 $0x1  }
0x17: {  	s4 =	simm.s32 $0x1BF5;
	[smem:$0x3FBB] =	sst s0  }
0x18: {  	s0 =	sld [smem:$0x3F9E];
	_ =	swait.ge [sflag:s4], $0x0  }
0x19: {  	s7 =	sld [smem:$0x3F9F]  }
0x1a: {  	s8 =	sadd.s32 $0xFFFFE003, lr  }
0x1b: {  	s9 =	sadd.s32 $0xFFFFFEF7, lr;
	s5 =	simm.s32 $0xFFFFFFFF;
	p2 =	slt.u32 s8, $0xFFFFF086  }
0x1c: {  	p1 =	slt.u32 s9, $0xF7A;
	s5 =	simm.s32 @!p2 $0x0  }
0x1d: {  	s5 =	simm.s32 @p1 $0x1;
	p0 =	seq.s32 s7, s2  }
0x1e: {  	s7 =	smul.u32 @!p0 $0xF7A, s2;
	p2 =	seq.s32 @!p0 s5, $0x0  }
0x1f: {  	s9 =	smul.u32 $0xF7A, s1;
	s8 =	simm.s32 @!p0 $0x1BF5;
	p2 =	por !p2, p0  }
0x20: {  	[sflag:s8] =	ssyncset.s32 @!p0 $0xFFFFF086;
	s6 =	sadd.s32 @!p0 s3, s7;
	s7 =	simm.s32 @!p0 $0x108  }
0x21: {  	s3 =	sadd.s32 s3, s9;
	s6 =	sadd.s32 @!p0 $0x88, s6;
	s7 =	simm.s32 @p2 $0x1082  }
0x22: {  	[simem:s7], [sflag:s8] =	dma.local @!p0 [hbm:s6], $0xF7A  }
0x23: {  	s9 =	sor.u32 $0xD0000000, s2;
	s6 =	simm.s32 $0x108;
	_ =	swait.ge @!p0 [sflag:s8], $0x0  }
0x24: {  	s3 =	sadd.s32 $0x88, s3;
	s6 =	simm.s32 @!p1 $0x1082;
	[sflag:s4] =	ssyncset.s32 $0xFFFFF086  }
0x25: {  	[simem:s6], [sflag:s4] =	dma.local [hbm:s3], $0xF7A  }
0x26: {  	[smem:$0x3F9F] =	sst s1;
	(tag) =	ssettag s2;
	_ =	strace s9  }
0x27: {  	s1 =	sld [smem:$0x3FAF]  }
0x28: {  	s2 =	sld [smem:$0x3FB0]  }
0x29: {  	s4 =	sld [smem:$0x3FB2]  }
0x2a: {  	p0 =	seq.s32 s5, $0x0;
	s5 =	sld [smem:$0x3FB3]  }
0x2b: {  	s6 =	sld [smem:$0x3FB4]  }
0x2c: {  	s7 =	sld [smem:$0x3FB5]  }
0x2d: {  	s3 =	simm.s32 $0x108;
	s8 =	sld [smem:$0x3FB6]  }
0x2e: {  	s3 =	simm.s32 @!p0 $0x1082;
	s9 =	sld [smem:$0x3FB7]  }
0x2f: {  	lr =	sadd.s32 s0, s3;
	s0 =	sld [smem:$0x3FAE]  }
0x30: {  	s3 =	sld [smem:$0x3FB1]  }
0x31: {  	[smem:$0x3FBA] =	sst s10  }
0x32: {  	s10 =	sld [smem:$0x3FB8];
	_ =	sdelay $0x3  }
0x33: {  	p0 =	seq.s32 s10, $0x1;
	s10 =	sld [smem:$0x3FBA];
	_ =	sdelay $0x3  }
0x34: {  	[smem:$0x3FBA] =	sst s10  }
0x35: {  	s10 =	sld [smem:$0x3FB9];
	_ =	sdelay $0x3  }
0x36: {  	p1 =	seq.s32 s10, $0x1;
	s10 =	sld [smem:$0x3FBA];
	_ =	sdelay $0x3  }
0x37: {  	[smem:$0x3FBA] =	sst s10  }
0x38: {  	s10 =	sld [smem:$0x3FBB]  }
0x39: {  	_ = 	snop;
	(pc) =	sbr.ind lr, $3  }
0x3a: {  	_ = 	snop  }
0x3b: {  	_ = 	snop  }
0x3c: {  	p2 =	seq.s32 s10, $0x1;
	s10 =	sld [smem:$0x3FBA]  }
0x3d: {  	_ =	shalt  }
0x3e: {  	_ =	shalt  }
0x3f: {  	_ =	shalt  }
0x40: {  	_ =	shalt  }
0x41: {  	_ =	shalt  }
0x42: {  	_ =	shalt  }
0x43: {  	_ =	shalt  }
0x44: {  	_ =	shalt  }
0x45: {  	_ =	shalt  }
0x46: {  	_ =	shalt  }
0x47: {  	_ =	shalt  }
0x48: {  	_ =	shalt  }
0x49: {  	_ =	shalt  }
0x4a: {  	_ =	shalt  }
0x4b: {  	_ =	shalt  }
0x4c: {  	_ =	shalt  }
0x4d: {  	_ =	shalt  }
0x4e: {  	_ =	shalt  }
0x4f: {  	_ =	shalt  }
0x50: {  	_ =	shalt  }
0x51: {  	_ =	shalt  }
0x52: {  	_ =	shalt  }
0x53: {  	_ =	shalt  }
0x54: {  	_ =	shalt  }
0x55: {  	_ =	shalt  }
0x56: {  	_ =	shalt  }
0x57: {  	_ =	shalt  }
0x58: {  	_ =	shalt  }
0x59: {  	_ =	shalt  }
0x5a: {  	_ =	shalt  }
0x5b: {  	_ =	shalt  }
0x5c: {  	_ =	shalt  }
0x5d: {  	_ =	shalt  }
0x5e: {  	_ =	shalt  }
0x5f: {  	_ =	shalt  }
0x60: {  	_ =	shalt  }
0x61: {  	_ =	shalt  }
0x62: {  	_ =	shalt  }
0x63: {  	_ =	shalt  }
0x64: {  	_ =	shalt  }
0x65: {  	_ =	shalt  }
0x66: {  	_ =	shalt  }
0x67: {  	_ =	shalt  }
0x68: {  	_ =	shalt  }
0x69: {  	_ =	shalt  }
0x6a: {  	_ =	shalt  }
0x6b: {  	_ =	shalt  }
0x6c: {  	_ =	shalt  }
0x6d: {  	_ =	shalt  }
0x6e: {  	_ =	shalt  }
0x6f: {  	_ =	shalt  }
0x70: {  	_ =	shalt  }
0x71: {  	_ =	shalt  }
0x72: {  	_ =	shalt  }
0x73: {  	_ =	shalt  }
0x74: {  	_ =	shalt  }
0x75: {  	_ =	shalt  }
0x76: {  	_ =	shalt  }
0x77: {  	_ =	shalt  }
0x78: {  	_ =	shalt  }
0x79: {  	_ =	shalt  }
0x7a: {  	_ =	shalt  }
0x7b: {  	_ =	shalt  }
0x7c: {  	_ =	shalt  }
0x7d: {  	_ =	shalt  }
0x7e: {  	_ =	shalt  }
0x7f: {  	_ =	shalt  }
0x80: {  	_ =	shalt  }
0x81: {  	_ =	shalt  }
0x82: {  	_ =	shalt  }
0x83: {  	_ =	shalt  }
0x84: {  	_ =	shalt  }
0x85: {  	_ =	shalt  }
0x86: {  	_ =	shalt  }
0x87: {  	_ =	shalt  }
.Lfunc_end0:
.L_simem_size_0:
called_computation_lowered:
.L_overlay_start_0:
0x88: {  	s2 =	sld [smem:$0x3FD9]  }
0x89: {  	s3 =	sld [smem:$0x3FFE];
	_ =	sdelay $0x1  }
0x8a: {  	s1 =	srdreg.scid  }
0x8b: {  	s0 =	sand.u32 $0x1, s1  }
0x8c: {  	s18 =	sshll.u32 s0, $0xA;
	s2 =	sadd.s32 s3, s2  }
0x8d: {  	s2 =	sadd.s32 s2, s18  }
0x8e: {  	[smem:$0x3FC6] =	sst s2  }
0x8f: {  	_ = 	snop  }
0x90: {  	s2 =	sld [smem:$0x3FC9]  }
0x91: {  	s19 =	sld [smem:$0x3FC8]  }
0x92: {  	s4 =	sld [smem:$0x3FD0];
	(tm) =	ssettm $0x1  }
0x93: {  	s5 =	sld [smem:$0x3FFB];
	_ =	sdelay $0x3  }
0x94: {  	_ =	strace s5  }
0x95: {  	s5 =	sld [smem:$0x3FFC];
	_ =	sdelay $0x3  }
0x96: {  	_ =	strace s5  }
0x97: {  	s5 =	sld [smem:$0x3FFD];
	_ =	sdelay $0x3  }
0x98: {  	_ =	strace s5  }
0x99: {  	_ =	strace $0x8FFFFFFF  }
0x9a: {  	s20 =	sld [smem:$0x3FDB];
	_ =	sdelay $0x1  }
0x9b: {  	s6 =	simm.s32 $_scs_section_size  }
0x9c: {  	s7 =	simm.s32 $_size__tile_overlayer_lowered;
	s8 =	simm.s32 $_tile_overlayer_lowered  }
0x9d: {  	s23 =	simm.s32 $0x1BFF;
	s22 =	sshll.u32 s8, $0x1;
	s5 =	sadd.s32 s6, s20  }
0x9e: {  	s9 =	simm.s32 $0x0;
	s21 =	sshll.u32 s7, $0x1;
	s7 =	sadd.s32 s22, s5  }
0x9f: {  	[timem:s9], [sflag:s23] =	dma.local [hbm:s7], s21  }
0xa0: {  	_ =	swait.ge [sflag:s23], s21  }
0xa1: {  	s6 =	ssub.s32 $0x0, s21;
	[sflag:s23] =	ssyncset.done $0x0  }
0xa2: {  	[sflag:s23] =	ssyncadd.s32 s6;
	_ =	sdelay $0x1  }
0xa3: {  	s24 =	simm.s32 $0x1B8B  }
0xa4: {  	_ =	swait.ge [sflag:s24], $0x1  }
0xa5: {  	[sflag:s24] =	ssyncset.done $0x0  }
0xa6: {  	s25 =	simm.s32 $0x1B8E;
	[sflag:s24] =	ssyncadd.s32 $0xFFFFFFFF  }
0xa7: {  	s26 =	simm.s32 $execute0_lowered;
	[smem:$0x3FD2] =	sst s25  }
0xa8: {  	s6 =	sshll.u32 s26, $0x1;
	_ =	strace $0x80000046;
	[dreg:$0x1] =	wrdreg $0xFFFFFFFF  }
0xa9: {  	s28 =	simm.s32 $_size_execute0_lowered;
	s5 =	sadd.s32 s5, s6;
	[dreg:$0x0] =	wrdreg $0x0  }
0xaa: {  	s6 =	sshll.u32 s28, $0x1;
	[dreg:$0x2] =	wrdreg s5  }
0xab: {  	[dreg:$0x3] =	wrdreg s6  }
0xac: {  	[dreg:$0x4] =	wrdreg $0xC0  }
0xad: {  	_ =	task [dreg:s9], $0x5FFFF  }
0xae: {  	[dreg:$0x1] =	wrdreg $0xFFFFFFFF  }
0xaf: {  	[dreg:$0x0] =	wrdreg $0x60  }
0xb0: {  	[dreg:$0x2] =	wrdreg s2  }
0xb1: {  	[dreg:$0x3] =	wrdreg s19  }
0xb2: {  	[dreg:$0x4] =	wrdreg s4  }
0xb3: {  	[dreg:$0x5] =	wrdreg $0x9  }
0xb4: {  	_ =	task.clear_ibuf [dreg:s9], $0x6FFFF;
	_ =	strace $0x90000046  }
0xb5: {  	s29 =	simm.s32 $0x9;
	_ =	strace $0x80000048  }
0xb6: {  	_ =	swait.ge [sflag:s29], $0x1  }
0xb7: {  	[sflag:s29] =	ssyncadd.s32 $0xFFFFFFFF  }
0xb8: {  	_ =	strace $0x90000048  }
0xb9: {  	_ =	sfence  }
0xba: {  	s30 =	sld [smem:$0x0];
	_ =	sdelay $0x2  }
0xbb: {  	s31 =	sshll.u32 s1, $0xD;
	s1 =	sshrl.u32 s1, $0x2  }
0xbc: {  	s3 =	sand.u32 $0x4000, s31;
	s1 =	sadd.s32 s1, s30  }
0xbd: {  	s0 =	sor.u32 s3, s0;
	s1 =	sshll.u32 s1, $0x11  }
0xbe: {  	s0 =	sor.u32 s1, s0  }
0xbf: {  	s0 =	sadd.s32 $0x8F2B, s0  }
0xc0: {  	[sflag:s0] =	ssyncadd.remote.s32 $0x1  }
0xc1: {  	_ =	sfence.sel $0xFFFF  }
0xc2: {  	[dreg:$0x0] =	wrdreg $0xFFFFFFFF;
	(pc) =	sbr.abs _section_cstart, $3  }
0xc3: {  	[dreg:$0x1] =	wrdreg $0xFFFFFFFF  }
0xc4: {  	_ =	task.clear_ibuf [dreg:s9], $0x2FFFF;
	_ =	strace $0x9FFFFFFF  }
0xc5: {  	(tm) =	ssettm $0x7FFFFFFF  }
tec
execute0_lowered:
.L_overlay_start_1:
0x0: {  	(tag) =	ssettag $0x1  }
0x1: {  	s1 =	rddreg [dreg:$0x0]  }
0x2: {  	s4 =	rddreg [dreg:$0x1]  }
0x3: {  	s6 =	rddreg [dreg:$0x2]  }
0x4: {  	s0 =	rddreg [dreg:$0x3]  }
0x5: {  	s3 =	simm.s32 $0x0;
	s5 =	srdreg.scid;
	s2 =	stileid.u32  }
0x6: {  	s5 =	sand.u32 $0x1, s5;
	s7 =	sshll.u32 s2, $0x1;
	s8 =	smul.u32 $0x78000, s2  }
0x7: {  	s9 =	ssub.s32 $0x2, s5;
	s7 =	sor.u32 s5, s7;
	s5 =	smul.u32 $0x3C000, s5  }
0x8: {  	[smem:$0x7FF] =	sst s3;
	s10 =	sshrl.u32 s9, $0x1;
	s7 =	smul.u32 $0xF0, s7  }
0x9: {  	s11 =	simm.s32 $0x0;
	_ =	strace $0x80000047;
	s9 =	ssub.s32 s9, s10  }
0xa: {  	s8 =	sadd.s32 s5, s8;
	s10 =	simm.s32 $0x1;
	s4 =	sadd.s32 s4, s7  }
0xb: {  	s5 =	smax.u32 s9, $0x1;
	s31 =	sshrl.u32 s8, $0x3;
	s7 =	simm.s32 $0x2  }
0xc: {  	s8 =	simm.s32 $0x80;
	s9 =	simm.s32 $0x780;
	s6 =	sadd.s32 s31, s6  }
.LBB2_1:
0xd: {  	[tilespmem:s3], [sflag:$0x2] =	stream.linear.gather [hbm4b:s4+s3], $0x780, $0x38;
	[tilespmem:$0x4780] =	vst v63  }
0xe: {  	_ =	swait.ge [sflag:s7], $0x780  }
0xf: {  	[sflag:s7] =	ssyncset.done $0x0  }
0x10: {  	s12 =	simm.s32 $0x0;
	[sflag:s7] =	ssyncadd.s32 $0xFFFFF880  }
0x11: {  	[tilespmem:s9], [sflag:$0x1] =	stream.indirect.gather [hbm4b:s1+s8], $0x80, s12, s8, $0xb8;
	[tilespmem:$0x4780] =	vst v63  }
0x12: {  	_ =	swait.ge [sflag:s10], $0x4000  }
0x13: {  	[sflag:s10] =	ssyncset.done $0x0  }
0x14: {  	[sflag:s10] =	ssyncadd.s32 $0xFFFFC000  }
0x15: {  	[hbm4b:s6+s3] =	stream.linear.scatter [tilespmem:s9], [sflag:$0x2], $0x4000, $0x38;
	[tilespmem:$0x4780] =	vst v63  }
0x16: {  	s13 =	simm.s32 $0x200;
	_ =	swait.ge [sflag:s7], $0x4000  }
0x17: {  	s14 =	simm.s32 $0x400;
	s12 =	sadd.s32 $0x800, s6;
	[sflag:s7] =	ssyncset.done $0x0  }
.LBB2_2:
0x18: {  	s15 =	sshra.s32 s13, $0x2  }
0x19: {  	[sflag:s7] =	ssyncadd.s32 $0xFFFFC000;
	s13 =	smov.u32 s14;
	s16 =	sadd.s32 $0x200, s14  }
0x1a: {  	[tilespmem:s9], [sflag:$0x1] =	stream.indirect.gather [hbm4b:s1+s8], $0x80, s15, s8, $0xb8;
	[tilespmem:$0x4780] =	vst v63  }
0x1b: {  	p0 =	sne.s32 s14, $0x1C00;
	_ =	swait.ge [sflag:s10], $0x4000  }
.Ltmp0:
0x1c: {  	[sflag:s10] =	ssyncset.done $0x0;
	(pc) =	sbr.rel @p0 .LBB2_2-.Ltmp0, $4  }
0x1d: {  	[sflag:s10] =	ssyncadd.s32 $0xFFFFC000  }
0x1e: {  	[hbm4b:s12+s3] =	stream.linear.scatter [tilespmem:s9], [sflag:$0x2], $0x4000, $0x38;
	[tilespmem:$0x4780] =	vst v63  }
0x1f: {  	_ =	swait.ge [sflag:s7], $0x4000  }
0x20: {  	s14 =	smov.u32 s16;
	s12 =	sadd.s32 $0x800, s12;
	[sflag:s7] =	ssyncset.done $0x0  }
0x21: {  	s13 =	sshra.s32 s13, $0x2;
	[sflag:s7] =	ssyncadd.s32 $0xFFFFC000  }
0x22: {  	[tilespmem:s9], [sflag:$0x1] =	stream.indirect.gather [hbm4b:s1+s8], $0x80, s13, s8, $0xb8;
	[tilespmem:$0x4780] =	vst v63  }
0x23: {  	s11 =	sadd.s32 $0x1, s11;
	_ =	swait.ge [sflag:s10], $0x4000  }
0x24: {  	p0 =	sne.s32 s11, s5;
	[sflag:s10] =	ssyncset.done $0x0  }
.Ltmp1:
0x25: {  	[sflag:s10] =	ssyncadd.s32 $0xFFFFC000;
	(pc) =	sbr.rel @p0 .LBB2_1-.Ltmp1, $4  }
0x26: {  	[hbm4b:s12+s3] =	stream.linear.scatter [tilespmem:s9], [sflag:$0x2], $0x4000, $0x38;
	[tilespmem:$0x4780] =	vst v63  }
0x27: {  	_ =	swait.ge [sflag:s7], $0x4000  }
0x28: {  	[sflag:s7] =	ssyncset.done $0x0  }
0x29: {  	[sflag:s7] =	ssyncadd.s32 $0xFFFFC000  }
0x2a: {  	_ =	sfence.sel $0x180000  }
0x2b: {  	[bflag:$0x0] =	sbarrier.arrive $0xFFFF  }
0x2c: {  	p0 =	sne.s32 s2, $0x0;
	_ =	strace $0x90000047  }
0x2d: {  	s0 =	sadd.s32 @!p0 $0x100000, s0;
	[bflag:$0x2] =	sbarrier.arrive $0xFFFF  }
0x2e: {  	[sflag:s0] =	ssyncadd.tile.s32 @!p0 $0x1;
	_ =	shalt  }
.Lfunc_end2:
_tile_overlayer_lowered:
.L_overlay_start_2:
0x2f: {  	(tag) =	ssettag $0x2  }
0x30: {  	s0 =	rddreg [dreg:$0x0];
	s2 =	stileid.u32  }
0x31: {  	s1 =	rddreg [dreg:$0x1];
	p0 =	sne.s32 s2, $0x0  }
0x32: {  	s3 =	rddreg [dreg:$0x2];
	[bflag:$0x3] =	sbarrier.arrive $0xFFFF;
	s2 =	simm.s32 @!p0 $0x1C02  }
0x33: {  	[timem:s3], [sflag:s2] =	dma.local @!p0 [hbm:s0], s1  }
0x34: {  	s0 =	simm.s32 @!p0 $0x2  }
0x35: {  	_ =	swait.ge @!p0 [sflag:s0], s1  }
0x36: {  	s1 =	ssub.s32 @!p0 $0x0, s1;
	[sflag:s0] =	ssyncset.done @!p0 $0x0  }
0x37: {  	[sflag:s0] =	ssyncadd.s32 @!p0 s1  }
0x38: {  	[bflag:$0x3] =	sbarrier.arrive $0xFFFF  }
0x39: {  	_ =	shalt  }

</sc_bundles>
